<compile_context>
chip_gen: v7x
topology: tpu7x:2x2x1
jax: 0.10.2.dev20260603
libtpu: 0.0.44.dev20260713+nightly
codegen_flags: <defaults>
</compile_context>

<pallas_src>
import functools

import jax
import jax.numpy as jnp
from jax import lax
from jax.experimental import pallas as pl
from jax.experimental.pallas import tpu as pltpu
from jax.experimental.pallas import tpu_sc as plsc

N_E = 8192
E_DIM = 256
E_RED = 32
BETA = 0.25
N_TOK = 32 * 1024

M_BLK = 512
NK = 2048
_HI = lax.Precision.HIGHEST


def _dot_t(a, b, prec=None):
    return lax.dot_general(a, b, (((1,), (1,)), ((), ())),
                           precision=prec, preferred_element_type=jnp.float32)


def _rtz_bf16(x):
    u = lax.bitcast_convert_type(x, jnp.uint32)
    t = lax.bitcast_convert_type(u & jnp.uint32(0xFFFF0000), jnp.float32)
    return t.astype(jnp.bfloat16)


def _prologue_body(code_ref, wpost_ref, bpost_ref, cnb_ref, cnn_ref, cq_ref):
    code = code_ref[...]
    nm = jnp.maximum(jnp.sqrt(jnp.sum(code * code, axis=1, keepdims=True)), 1e-12)
    cn_t = code / nm
    cnb_ref[...] = cn_t.astype(jnp.bfloat16)
    csq = cn_t * cn_t
    ones = jnp.ones((1, E_RED), jnp.float32)
    cnn_ref[...] = _dot_t(ones, csq, _HI)
    cq = _dot_t(cn_t.astype(jnp.bfloat16), wpost_ref[...].astype(jnp.bfloat16))
    cq_ref[...] = cq + bpost_ref[...]


def _codebook_prep(code, W_post, b_post, interpret=False):
    return pl.pallas_call(
        _prologue_body,
        grid=(1,),
        in_specs=[
            pl.BlockSpec((N_E, E_RED), lambda i: (0, 0)),
            pl.BlockSpec((E_DIM, E_RED), lambda i: (0, 0)),
            pl.BlockSpec((1, E_DIM), lambda i: (0, 0)),
        ],
        out_specs=[
            pl.BlockSpec((N_E, E_RED), lambda i: (0, 0)),
            pl.BlockSpec((1, N_E), lambda i: (0, 0)),
            pl.BlockSpec((N_E, E_DIM), lambda i: (0, 0)),
        ],
        out_shape=[
            jax.ShapeDtypeStruct((N_E, E_RED), jnp.bfloat16),
            jax.ShapeDtypeStruct((1, N_E), jnp.float32),
            jax.ShapeDtypeStruct((N_E, E_DIM), jnp.float32),
        ],
        interpret=interpret,
    )(code, W_post, b_post.reshape(1, E_DIM))


def _main_body(z_ref, wpre_ref, bpre_ref, cnb_ref, cnn_ref,
               idx_ref, loss_ref, acc_ref):
    i = pl.program_id(0)
    zr = _dot_t(z_ref[...], wpre_ref[...]) + bpre_ref[...]
    nrm2 = jnp.sum(zr * zr, axis=1, keepdims=True)
    n = jnp.sqrt(nrm2)
    nm = jnp.maximum(n, 1e-12)
    zf = zr * pl.reciprocal(nm, approx=True, full_range=False)
    a = jnp.sum(zf * zf, axis=1, keepdims=True)
    zfb = zf.astype(jnp.bfloat16)

    rmin = None
    ridx = None
    for c in range(N_E // NK):
        cnc = cnb_ref[pl.ds(c * NK, NK), :]
        s = _dot_t(zfb, cnc)
        e = (a + cnn_ref[:, pl.ds(c * NK, NK)]) - 2.0 * s
        cmin = jnp.min(e, axis=1, keepdims=True)
        col = lax.broadcasted_iota(jnp.int32, (M_BLK, NK), 1) + c * NK
        cidx = jnp.min(jnp.where(e == cmin, col, jnp.int32(2 ** 30)),
                       axis=1, keepdims=True)
        if c == 0:
            rmin, ridx = cmin, cidx
        else:
            upd = cmin < rmin
            ridx = jnp.where(upd, cidx, ridx)
            rmin = jnp.where(upd, cmin, rmin)

    idx_ref[...] = ridx.reshape(1, M_BLK, 1)

    lt = nrm2 + 1.0 - n * ((a + 1.0) - rmin)
    part = jnp.sum(lt).reshape(1, 1)

    @pl.when(i == 0)
    def _():
        acc_ref[...] = jnp.zeros((1, 1), jnp.float32)

    acc_ref[...] = acc_ref[...] + part

    @pl.when(i == pl.num_programs(0) - 1)
    def _():
        loss_ref[...] = acc_ref[...] * jnp.float32((1.0 + BETA) / (N_TOK * E_RED))


def _score_argmax(z2b, W_pre_b, b_pre, cnb, cnn, interpret=False):
    nblk = N_TOK // M_BLK
    return pl.pallas_call(
        _main_body,
        grid=(nblk,),
        in_specs=[
            pl.BlockSpec((M_BLK, E_DIM), lambda i: (i, 0)),
            pl.BlockSpec((E_RED, E_DIM), lambda i: (0, 0)),
            pl.BlockSpec((1, E_RED), lambda i: (0, 0)),
            pl.BlockSpec((N_E, E_RED), lambda i: (0, 0)),
            pl.BlockSpec((1, N_E), lambda i: (0, 0)),
        ],
        out_specs=[
            pl.BlockSpec((1, M_BLK, 1), lambda i: (i, 0, 0)),
            pl.BlockSpec((1, 1), lambda i: (0, 0)),
        ],
        out_shape=[
            jax.ShapeDtypeStruct((nblk, M_BLK, 1), jnp.int32),
            jax.ShapeDtypeStruct((1, 1), jnp.float32),
        ],
        scratch_shapes=[pltpu.VMEM((1, 1), jnp.float32)],
        interpret=interpret,
    )(z2b, W_pre_b, b_pre.reshape(1, E_RED), cnb, cnn)


_SC_CORES = 2
_SC_SUBCORES = 16
_NW = _SC_CORES * _SC_SUBCORES
_B_PER_W = N_TOK // _NW
_GCHUNK = 256


@functools.cache
def _gather_fn():
    @functools.partial(
        pl.kernel,
        mesh=plsc.VectorSubcoreMesh(core_axis_name="c", subcore_axis_name="s"),
        out_type=jax.ShapeDtypeStruct((N_TOK, E_DIM), jnp.float32),
        scratch_types=[
            pltpu.VMEM((_GCHUNK,), jnp.int32),
            pltpu.VMEM((_GCHUNK, E_DIM), jnp.float32),
            pltpu.SemaphoreType.DMA,
        ],
    )
    def _gather_rows(table_hbm, idx_hbm, out_hbm, idx_v, rows_v, sem):
        cc = lax.axis_index("c")
        ss = lax.axis_index("s")
        base = (ss * _SC_CORES + cc) * _B_PER_W

        def body(j, carry):
            off = base + j * _GCHUNK
            pltpu.sync_copy(idx_hbm.at[pl.ds(off, _GCHUNK)], idx_v)
            pltpu.async_copy(table_hbm.at[idx_v], rows_v, sem).wait()
            pltpu.sync_copy(rows_v, out_hbm.at[pl.ds(off, _GCHUNK)])
            return carry

        lax.fori_loop(0, _B_PER_W // _GCHUNK, body, 0)

    return _gather_rows


def kernel(z, code, W_pre, b_pre, W_post, b_post):
    z2b = z.reshape(N_TOK, E_DIM).astype(jnp.bfloat16)
    cnb, cnn, cq = _codebook_prep(code, W_post, b_post)
    idx3, loss11 = _score_argmax(z2b, W_pre.astype(jnp.bfloat16), b_pre, cnb, cnn)
    idx = idx3.reshape(N_TOK)
    z_q = _gather_fn()(cq, idx).reshape(z.shape)
    return z_q, loss11.reshape(()), idx

# --- scband reference (transcript-rebuilt; emitter-appended) ---
"""Pipeline reference for scband-vector-quantize-reduce-simple-27633819583045 (READ-ONLY COPY).

The authoritative reference and input builder live on the scoring server;
editing this copy changes nothing except your own understanding.
"""

import jax, jax.numpy as jnp
import numpy as np

N_E = 8192
E_DIM = 256
E_RED = 32
BETA = 0.25


def _l2norm(x, eps=1e-12):
    n = jnp.sqrt(jnp.sum(x * x, axis=-1, keepdims=True))
    return x / jnp.maximum(n, eps)


def setup_inputs(seed: int = 0) -> dict:
    key = jax.random.key(seed)
    ks = jax.random.split(key, 5)
    z = jax.random.normal(ks[0], (32, 1024, E_DIM), dtype=jnp.float32)
    code = jax.random.uniform(ks[1], (N_E, E_RED), minval=-1.0 / N_E, maxval=1.0 / N_E, dtype=jnp.float32)
    W_pre = jax.random.normal(ks[2], (E_RED, E_DIM), dtype=jnp.float32) * (1.0 / np.sqrt(E_DIM))
    b_pre = jnp.zeros((E_RED,), dtype=jnp.float32)
    W_post = jax.random.normal(ks[3], (E_DIM, E_RED), dtype=jnp.float32) * (1.0 / np.sqrt(E_RED))
    b_post = jnp.zeros((E_DIM,), dtype=jnp.float32)
    return {"z": z, "code": code, "W_pre": W_pre, "b_pre": b_pre, "W_post": W_post, "b_post": b_post}


def reference(z, code, W_pre, b_pre, W_post, b_post):
    # latent_proj_pre
    z_reduce = jnp.einsum('bse,re->bsr', z, W_pre) + b_pre
    zf = z_reduce.reshape(-1, E_RED)
    zf = _l2norm(zf)
    cn = _l2norm(code)
    # squared L2 distances
    d = (jnp.sum(zf ** 2, axis=1, keepdims=True)
         + jnp.sum(cn ** 2, axis=1)
         - 2.0 * jnp.einsum('bd,dn->bn', zf, cn.T))
    min_encoding_indices = jnp.argmin(d, axis=1)
    # embedding gather
    z_q_reduce = jnp.take(cn, min_encoding_indices, axis=0).reshape(z_reduce.shape)
    # legacy=True loss
    loss = (jnp.mean((jax.lax.stop_gradient(z_q_reduce) - z_reduce) ** 2)
            + BETA * jnp.mean((z_q_reduce - jax.lax.stop_gradient(z_reduce)) ** 2))
    # straight-through estimator
    z_q_reduce = z_reduce + jax.lax.stop_gradient(z_q_reduce - z_reduce)
    # latent_proj_post
    z_q = jnp.einsum('bsr,er->bse', z_q_reduce, W_post) + b_post
    return (z_q, loss, min_encoding_indices)

if __name__ == "__main__":
    import jax
    _d = setup_inputs()
    print(jax.jit(kernel)(*tuple(_d.values())))

</pallas_src>

<mosaic_0001>
#map = affine_map<(d0, d1) -> (0, 0)>
#map1 = affine_map<(d0, d1) -> (0)>
module attributes {stable_mosaic.version = 14 : i64} {
  func.func @_gather_rows(%arg0: i32, %arg1: i32, %arg2: memref<8192x256xf32, #tpu.memory_space<hbm>>, %arg3: memref<32768xi32, #tpu.memory_space<hbm>>, %arg4: memref<32768x256xf32, #tpu.memory_space<hbm>>, %arg5: memref<256xi32, #tpu.memory_space<vmem>>, %arg6: memref<256x256xf32, #tpu.memory_space<vmem>>, %arg7: memref<!tpu.dma_semaphore, #tpu.memory_space<semaphore_mem>>) attributes {dimension_semantics = [#tpu.dimension_semantics<core_parallel>, #tpu.dimension_semantics<subcore_parallel>], iteration_bounds = array<i64: 2, 16>, scalar_prefetch = 0 : i64, scratch_operands = 3 : i64, tpu.core_type = #tpu.core_type<sc_vector_subcore>, window_params = [{transform_indices = #map}, {transform_indices = #map1}, {transform_indices = #map}]} {
    %mul3A = arith.constant 2 : i32
    %mul3A_0 = arith.muli %arg1, %mul3A : i32
    %add3A = arith.addi %mul3A_0, %arg0 : i32
    %mul3A_1 = arith.constant 1024 : i32
    %mul3A_2 = arith.muli %add3A, %mul3A_1 : i32
    %scan3A = arith.constant 0 : i32
    %scan3A_3 = arith.constant 0 : i32
    %scan3A_4 = arith.constant 4 : i32
    %scan3A_5 = arith.addi %scan3A_3, %scan3A_4 : i32
    %scan3A_6 = arith.constant 1 : i32
    scf.for %scan3A_8 = %scan3A_3 to %scan3A_5 step %scan3A_6  : i32 {
      %mul3A_9 = arith.constant 256 : i32
      %mul3A_10 = arith.muli %scan3A_8, %mul3A_9 : i32
      %add3A_11 = arith.addi %mul3A_2, %mul3A_10 : i32
      "tpu.region"() ({
        %run_scoped3A = tpu.sem_alloc : memref<!tpu.dma_semaphore, #tpu.memory_space<semaphore_mem>>
        %dma_start3A_16 = tpu.memref_slice %arg3[%add3A_11] : memref<32768xi32, #tpu.memory_space<hbm>> -> memref<256xi32, #tpu.memory_space<hbm>>
        %dma_start3A_17 = tpu.memref_slice %arg3[%add3A_11] : memref<32768xi32, #tpu.memory_space<hbm>> -> memref<256xi32, #tpu.memory_space<hbm>>
        tpu.enqueue_dma source(%dma_start3A_17 : memref<256xi32, #tpu.memory_space<hbm>>) target(%arg5 : memref<256xi32, #tpu.memory_space<vmem>>) target_semaphore(%run_scoped3A : memref<!tpu.dma_semaphore, #tpu.memory_space<semaphore_mem>>)
        %dma_wait3A_18 = tpu.memref_slice %arg3[%add3A_11] : memref<32768xi32, #tpu.memory_space<hbm>> -> memref<256xi32, #tpu.memory_space<hbm>>
        %dma_wait3A_19 = tpu.memref_slice %arg3[%add3A_11] : memref<32768xi32, #tpu.memory_space<hbm>> -> memref<256xi32, #tpu.memory_space<hbm>>
        tpu.wait_dma2 semaphore(%run_scoped3A : memref<!tpu.dma_semaphore, #tpu.memory_space<semaphore_mem>>) src(%dma_wait3A_19 : memref<256xi32, #tpu.memory_space<hbm>>) dst(%arg5 : memref<256xi32, #tpu.memory_space<vmem>>)
        tpu.yield
      }) : () -> ()
      %dma_start3A = arith.constant 0 : i32
      %dma_start3A_12 = arith.constant 0 : i32
      %dma_start3A_13 = tpu.memref_slice %arg2[%dma_start3A, %dma_start3A_12] : memref<8192x256xf32, #tpu.memory_space<hbm>> -> memref<8192x256xf32, #tpu.memory_space<hbm>>
      tpu.enqueue_indirect_dma source(%dma_start3A_13 : memref<8192x256xf32, #tpu.memory_space<hbm>>) target(%arg6 : memref<256x256xf32, #tpu.memory_space<vmem>>) offsets(%arg5 : memref<256xi32, #tpu.memory_space<vmem>>) semaphore(%arg7 : memref<!tpu.dma_semaphore, #tpu.memory_space<semaphore_mem>>)
      %dma_wait3A = arith.constant 0 : i32
      %dma_wait3A_14 = arith.constant 0 : i32
      %dma_wait3A_15 = tpu.memref_slice %arg2[%dma_wait3A, %dma_wait3A_14] : memref<8192x256xf32, #tpu.memory_space<hbm>> -> memref<8192x256xf32, #tpu.memory_space<hbm>>
      tpu.wait_indirect_dma semaphore(%arg7 : memref<!tpu.dma_semaphore, #tpu.memory_space<semaphore_mem>>) src(%dma_wait3A_15 : memref<8192x256xf32, #tpu.memory_space<hbm>>) dst(%arg6 : memref<256x256xf32, #tpu.memory_space<vmem>>)
      "tpu.region"() ({
        %run_scoped3A = tpu.sem_alloc : memref<!tpu.dma_semaphore, #tpu.memory_space<semaphore_mem>>
        %dma_start3A_16 = arith.constant 0 : i32
        %dma_start3A_17 = tpu.memref_slice %arg4[%add3A_11, %dma_start3A_16] : memref<32768x256xf32, #tpu.memory_space<hbm>> -> memref<256x256xf32, #tpu.memory_space<hbm>>
        %dma_start3A_18 = arith.constant 0 : i32
        %dma_start3A_19 = tpu.memref_slice %arg4[%add3A_11, %dma_start3A_18] : memref<32768x256xf32, #tpu.memory_space<hbm>> -> memref<256x256xf32, #tpu.memory_space<hbm>>
        tpu.enqueue_dma source(%arg6 : memref<256x256xf32, #tpu.memory_space<vmem>>) target(%dma_start3A_19 : memref<256x256xf32, #tpu.memory_space<hbm>>) target_semaphore(%run_scoped3A : memref<!tpu.dma_semaphore, #tpu.memory_space<semaphore_mem>>)
        %dma_wait3A_20 = arith.constant 0 : i32
        %dma_wait3A_21 = tpu.memref_slice %arg4[%add3A_11, %dma_wait3A_20] : memref<32768x256xf32, #tpu.memory_space<hbm>> -> memref<256x256xf32, #tpu.memory_space<hbm>>
        %dma_wait3A_22 = arith.constant 0 : i32
        %dma_wait3A_23 = tpu.memref_slice %arg4[%add3A_11, %dma_wait3A_22] : memref<32768x256xf32, #tpu.memory_space<hbm>> -> memref<256x256xf32, #tpu.memory_space<hbm>>
        tpu.wait_dma2 semaphore(%run_scoped3A : memref<!tpu.dma_semaphore, #tpu.memory_space<semaphore_mem>>) src(%arg6 : memref<256x256xf32, #tpu.memory_space<vmem>>) dst(%dma_wait3A_23 : memref<256x256xf32, #tpu.memory_space<hbm>>)
        tpu.yield
      }) : () -> ()
    }
    %scan3A_7 = arith.constant 4 : i32
    return
  }
}

module attributes {stable_mosaic.version = 14 : i64} {
  func.func @_prologue_body(%arg0: i32, %arg1: memref<8192x32xf32, #tpu.memory_space<vmem>>, %arg2: memref<256x32xf32, #tpu.memory_space<vmem>>, %arg3: memref<1x256xf32, #tpu.memory_space<vmem>>, %arg4: memref<8192x32xbf16, #tpu.memory_space<vmem>>, %arg5: memref<1x8192xf32, #tpu.memory_space<vmem>>, %arg6: memref<8192x256xf32, #tpu.memory_space<vmem>>) attributes {dimension_semantics = [#tpu.dimension_semantics<arbitrary>], iteration_bounds = array<i64: 1>, scalar_prefetch = 0 : i64, scratch_operands = 0 : i64, tpu.core_type = #tpu.core_type<tc>, window_params = [{pipeline_mode = #tpu.pipeline_mode<synchronous>, transform_indices = @transform_0, window_bounds = array<i64: 8192, 32>}, {pipeline_mode = #tpu.pipeline_mode<synchronous>, transform_indices = @transform_1, window_bounds = array<i64: 256, 32>}, {pipeline_mode = #tpu.pipeline_mode<synchronous>, transform_indices = @transform_2, window_bounds = array<i64: 1, 256>}, {pipeline_mode = #tpu.pipeline_mode<synchronous>, transform_indices = @transform_3, window_bounds = array<i64: 8192, 32>}, {pipeline_mode = #tpu.pipeline_mode<synchronous>, transform_indices = @transform_4, window_bounds = array<i64: 1, 8192>}, {pipeline_mode = #tpu.pipeline_mode<synchronous>, transform_indices = @transform_5, window_bounds = array<i64: 8192, 256>}]} {
    %get3A = arith.constant 0 : index
    %get3A_0 = arith.constant 0 : index
    %get3A_1 = vector.load %arg1[%get3A, %get3A_0] : memref<8192x32xf32, #tpu.memory_space<vmem>>, vector<8192x32xf32>
    %mul3A = arith.mulf %get3A_1, %get3A_1 : vector<8192x32xf32>
    %reduce_sum3A = arith.constant dense<0.000000e+00> : vector<8192xf32>
    %reduce_sum3A_2 = vector.multi_reduction <add>, %mul3A, %reduce_sum3A [1] : vector<8192x32xf32> to vector<8192xf32>
    %broadcast_in_dim3A = vector.shape_cast %reduce_sum3A_2 : vector<8192xf32> to vector<8192x1xf32>
    %sqrt3A = math.sqrt %broadcast_in_dim3A : vector<8192x1xf32>
    %max3A = arith.constant 9.99999996E-13 : f32
    %max3A_3 = vector.broadcast %max3A : f32 to vector<8192x1xf32>
    %max3A_4 = arith.maximumf %sqrt3A, %max3A_3 : vector<8192x1xf32>
    %div3A = vector.broadcast %max3A_4 : vector<8192x1xf32> to vector<8192x32xf32>
    %div3A_5 = arith.divf %get3A_1, %div3A : vector<8192x32xf32>
    %convert_element_type3A = arith.truncf %div3A_5 : vector<8192x32xf32> to vector<8192x32xbf16>
    %swap3A = arith.constant 0 : index
    %swap3A_6 = arith.constant 0 : index
    %swap3A_7 = vector.load %arg4[%swap3A, %swap3A_6] : memref<8192x32xbf16, #tpu.memory_space<vmem>>, vector<8192x32xbf16>
    tpu.vector_store %arg4[%swap3A, %swap3A_6], %convert_element_type3A {strides = array<i32>} : memref<8192x32xbf16, #tpu.memory_space<vmem>>, vector<8192x32xbf16>,
    %mul3A_8 = arith.mulf %div3A_5, %div3A_5 : vector<8192x32xf32>
    %broadcast_in_dim3A_9 = arith.constant 1.000000e+00 : f32
    %broadcast_in_dim3A_10 = vector.broadcast %broadcast_in_dim3A_9 : f32 to vector<1x32xf32>
    %dot_general3A = arith.constant dense<0.000000e+00> : vector<1x8192xf32>
    %dot_general3A_11 = tpu.matmul %broadcast_in_dim3A_10, %mul3A_8, %dot_general3A {dimension_numbers = #tpu.dot_dimension_numbers<[1], [1], [0], [0], [0, 0, 1, 0], [], []>, precision = #tpu.contract_precision<fp32>, transpose_lhs_hint = false} : vector<1x32xf32>, vector<8192x32xf32>, vector<1x8192xf32> -> vector<1x8192xf32>
    %swap3A_12 = arith.constant 0 : index
    %swap3A_13 = arith.constant 0 : index
    %swap3A_14 = vector.load %arg5[%swap3A_12, %swap3A_13] : memref<1x8192xf32, #tpu.memory_space<vmem>>, vector<1x8192xf32>
    tpu.vector_store %arg5[%swap3A_12, %swap3A_13], %dot_general3A_11 {strides = array<i32>} : memref<1x8192xf32, #tpu.memory_space<vmem>>, vector<1x8192xf32>,
    %convert_element_type3A_15 = arith.truncf %div3A_5 : vector<8192x32xf32> to vector<8192x32xbf16>
    %get3A_16 = arith.constant 0 : index
    %get3A_17 = arith.constant 0 : index
    %get3A_18 = vector.load %arg2[%get3A_16, %get3A_17] : memref<256x32xf32, #tpu.memory_space<vmem>>, vector<256x32xf32>
    %convert_element_type3A_19 = arith.truncf %get3A_18 : vector<256x32xf32> to vector<256x32xbf16>
    %dot_general3A_20 = arith.constant dense<0.000000e+00> : vector<8192x256xf32>
    %dot_general3A_21 = tpu.matmul %convert_element_type3A_15, %convert_element_type3A_19, %dot_general3A_20 {dimension_numbers = #tpu.dot_dimension_numbers<[1], [1], [0], [0], [0, 0, 1, 0], [], []>, transpose_lhs_hint = false} : vector<8192x32xbf16>, vector<256x32xbf16>, vector<8192x256xf32> -> vector<8192x256xf32>
    %get3A_22 = arith.constant 0 : index
    %get3A_23 = arith.constant 0 : index
    %get3A_24 = vector.load %arg3[%get3A_22, %get3A_23] : memref<1x256xf32, #tpu.memory_space<vmem>>, vector<1x256xf32>
    %add3A = vector.broadcast %get3A_24 : vector<1x256xf32> to vector<8192x256xf32>
    %add3A_25 = arith.addf %dot_general3A_21, %add3A : vector<8192x256xf32>
    %swap3A_26 = arith.constant 0 : index
    %swap3A_27 = arith.constant 0 : index
    %swap3A_28 = vector.load %arg6[%swap3A_26, %swap3A_27] : memref<8192x256xf32, #tpu.memory_space<vmem>>, vector<8192x256xf32>
    tpu.vector_store %arg6[%swap3A_26, %swap3A_27], %add3A_25 {strides = array<i32>} : memref<8192x256xf32, #tpu.memory_space<vmem>>, vector<8192x256xf32>,
    return
  }
  func.func @transform_0(%arg0: i32) -> (i32, i32) {
    %c0_i32 = arith.constant 0 : i32
    %c0_i32_0 = arith.constant 0 : i32
    %c0_i32_1 = arith.constant 0 : i32
    return %c0_i32, %c0_i32_0 : i32, i32
  }
  func.func @transform_1(%arg0: i32) -> (i32, i32) {
    %c0_i32 = arith.constant 0 : i32
    %c0_i32_0 = arith.constant 0 : i32
    %c0_i32_1 = arith.constant 0 : i32
    return %c0_i32, %c0_i32_0 : i32, i32
  }
  func.func @transform_2(%arg0: i32) -> (i32, i32) {
    %c0_i32 = arith.constant 0 : i32
    %c0_i32_0 = arith.constant 0 : i32
    %c0_i32_1 = arith.constant 0 : i32
    return %c0_i32, %c0_i32_0 : i32, i32
  }
  func.func @transform_3(%arg0: i32) -> (i32, i32) {
    %c0_i32 = arith.constant 0 : i32
    %c0_i32_0 = arith.constant 0 : i32
    %c0_i32_1 = arith.constant 0 : i32
    return %c0_i32, %c0_i32_0 : i32, i32
  }
  func.func @transform_4(%arg0: i32) -> (i32, i32) {
    %c0_i32 = arith.constant 0 : i32
    %c0_i32_0 = arith.constant 0 : i32
    %c0_i32_1 = arith.constant 0 : i32
    return %c0_i32, %c0_i32_0 : i32, i32
  }
  func.func @transform_5(%arg0: i32) -> (i32, i32) {
    %c0_i32 = arith.constant 0 : i32
    %c0_i32_0 = arith.constant 0 : i32
    %c0_i32_1 = arith.constant 0 : i32
    return %c0_i32, %c0_i32_0 : i32, i32
  }
}

module attributes {stable_mosaic.version = 14 : i64} {
  func.func @_main_body(%arg0: i32, %arg1: memref<512x256xbf16, #tpu.memory_space<vmem>>, %arg2: memref<32x256xbf16, #tpu.memory_space<vmem>>, %arg3: memref<1x32xf32, #tpu.memory_space<vmem>>, %arg4: memref<8192x32xbf16, #tpu.memory_space<vmem>>, %arg5: memref<1x8192xf32, #tpu.memory_space<vmem>>, %arg6: memref<1x512x1xi32, #tpu.memory_space<vmem>>, %arg7: memref<1x1xf32, #tpu.memory_space<vmem>>, %arg8: memref<1x1xf32, #tpu.memory_space<vmem>>) attributes {dimension_semantics = [#tpu.dimension_semantics<arbitrary>], iteration_bounds = array<i64: 64>, scalar_prefetch = 0 : i64, scratch_operands = 1 : i64, tpu.core_type = #tpu.core_type<tc>, window_params = [{transform_indices = @transform_0, window_bounds = array<i64: 512, 256>}, {pipeline_mode = #tpu.pipeline_mode<synchronous>, transform_indices = @transform_1, window_bounds = array<i64: 32, 256>}, {pipeline_mode = #tpu.pipeline_mode<synchronous>, transform_indices = @transform_2, window_bounds = array<i64: 1, 32>}, {pipeline_mode = #tpu.pipeline_mode<synchronous>, transform_indices = @transform_3, window_bounds = array<i64: 8192, 32>}, {pipeline_mode = #tpu.pipeline_mode<synchronous>, transform_indices = @transform_4, window_bounds = array<i64: 1, 8192>}, {transform_indices = @transform_5, window_bounds = array<i64: 1, 512, 1>}, {pipeline_mode = #tpu.pipeline_mode<synchronous>, transform_indices = @transform_6, window_bounds = array<i64: 1, 1>}]} {
    %get3A = arith.constant 0 : index
    %get3A_0 = arith.constant 0 : index
    %get3A_1 = vector.load %arg1[%get3A, %get3A_0] : memref<512x256xbf16, #tpu.memory_space<vmem>>, vector<512x256xbf16>
    %get3A_2 = arith.constant 0 : index
    %get3A_3 = arith.constant 0 : index
    %get3A_4 = vector.load %arg2[%get3A_2, %get3A_3] : memref<32x256xbf16, #tpu.memory_space<vmem>>, vector<32x256xbf16>
    %dot_general3A = arith.constant dense<0.000000e+00> : vector<512x32xf32>
    %dot_general3A_5 = tpu.matmul %get3A_1, %get3A_4, %dot_general3A {dimension_numbers = #tpu.dot_dimension_numbers<[1], [1], [0], [0], [0, 0, 1, 0], [], []>, transpose_lhs_hint = false} : vector<512x256xbf16>, vector<32x256xbf16>, vector<512x32xf32> -> vector<512x32xf32>
    %get3A_6 = arith.constant 0 : index
    %get3A_7 = arith.constant 0 : index
    %get3A_8 = vector.load %arg3[%get3A_6, %get3A_7] : memref<1x32xf32, #tpu.memory_space<vmem>>, vector<1x32xf32>
    %add3A = vector.broadcast %get3A_8 : vector<1x32xf32> to vector<512x32xf32>
    %add3A_9 = arith.addf %dot_general3A_5, %add3A : vector<512x32xf32>
    %mul3A = arith.mulf %add3A_9, %add3A_9 : vector<512x32xf32>
    %reduce_sum3A = arith.constant dense<0.000000e+00> : vector<512xf32>
    %reduce_sum3A_10 = vector.multi_reduction <add>, %mul3A, %reduce_sum3A [1] : vector<512x32xf32> to vector<512xf32>
    %broadcast_in_dim3A = vector.shape_cast %reduce_sum3A_10 : vector<512xf32> to vector<512x1xf32>
    %sqrt3A = math.sqrt %broadcast_in_dim3A : vector<512x1xf32>
    %max3A = arith.constant 9.99999996E-13 : f32
    %max3A_11 = vector.broadcast %max3A : f32 to vector<512x1xf32>
    %max3A_12 = arith.maximumf %sqrt3A, %max3A_11 : vector<512x1xf32>
    %reciprocal3A = tpu.reciprocal %max3A_12 {approx = true, full_range = false} : vector<512x1xf32> -> vector<512x1xf32>
    %mul3A_13 = vector.broadcast %reciprocal3A : vector<512x1xf32> to vector<512x32xf32>
    %mul3A_14 = arith.mulf %add3A_9, %mul3A_13 : vector<512x32xf32>
    %mul3A_15 = arith.mulf %mul3A_14, %mul3A_14 : vector<512x32xf32>
    %reduce_sum3A_16 = arith.constant dense<0.000000e+00> : vector<512xf32>
    %reduce_sum3A_17 = vector.multi_reduction <add>, %mul3A_15, %reduce_sum3A_16 [1] : vector<512x32xf32> to vector<512xf32>
    %broadcast_in_dim3A_18 = vector.shape_cast %reduce_sum3A_17 : vector<512xf32> to vector<512x1xf32>
    %convert_element_type3A = arith.truncf %mul3A_14 : vector<512x32xf32> to vector<512x32xbf16>
    %get3A_19 = arith.constant 0 : index
    %get3A_20 = arith.constant 0 : index
    %get3A_21 = vector.load %arg4[%get3A_19, %get3A_20] : memref<8192x32xbf16, #tpu.memory_space<vmem>>, vector<2048x32xbf16>
    %dot_general3A_22 = arith.constant dense<0.000000e+00> : vector<512x2048xf32>
    %dot_general3A_23 = tpu.matmul %convert_element_type3A, %get3A_21, %dot_general3A_22 {dimension_numbers = #tpu.dot_dimension_numbers<[1], [1], [0], [0], [0, 0, 1, 0], [], []>, transpose_lhs_hint = false} : vector<512x32xbf16>, vector<2048x32xbf16>, vector<512x2048xf32> -> vector<512x2048xf32>
    %get3A_24 = arith.constant 0 : index
    %get3A_25 = arith.constant 0 : index
    %get3A_26 = vector.load %arg5[%get3A_24, %get3A_25] : memref<1x8192xf32, #tpu.memory_space<vmem>>, vector<1x2048xf32>
    %add3A_27 = vector.broadcast %broadcast_in_dim3A_18 : vector<512x1xf32> to vector<512x2048xf32>
    %add3A_28 = vector.broadcast %get3A_26 : vector<1x2048xf32> to vector<512x2048xf32>
    %add3A_29 = arith.addf %add3A_27, %add3A_28 : vector<512x2048xf32>
    %mul3A_30 = arith.constant 2.000000e+00 : f32
    %mul3A_31 = vector.broadcast %mul3A_30 : f32 to vector<512x2048xf32>
    %mul3A_32 = arith.mulf %mul3A_31, %dot_general3A_23 : vector<512x2048xf32>
    %sub3A = arith.subf %add3A_29, %mul3A_32 : vector<512x2048xf32>
    %reduce_min3A = arith.constant dense<0x7F800000> : vector<512xf32>
    %reduce_min3A_33 = vector.multi_reduction <minimumf>, %sub3A, %reduce_min3A [1] : vector<512x2048xf32> to vector<512xf32>
    %broadcast_in_dim3A_34 = vector.shape_cast %reduce_min3A_33 : vector<512xf32> to vector<512x1xf32>
    %iota3A = tpu.iota {dimensions = array<i32: 1>} : vector<512x2048xi32>
    %add3A_35 = arith.constant 0 : i32
    %add3A_36 = vector.broadcast %add3A_35 : i32 to vector<512x2048xi32>
    %add3A_37 = arith.addi %iota3A, %add3A_36 : vector<512x2048xi32>
    %eq3A = vector.broadcast %broadcast_in_dim3A_34 : vector<512x1xf32> to vector<512x2048xf32>
    %eq3A_38 = arith.cmpf oeq, %sub3A, %eq3A : vector<512x2048xf32>
    %jit3A = arith.constant 1073741824 : i32
    %broadcast_in_dim3A_39 = vector.broadcast %jit3A : i32 to vector<512x2048xi32>
    %select_n3A = arith.select %eq3A_38, %add3A_37, %broadcast_in_dim3A_39 : vector<512x2048xi1>, vector<512x2048xi32>
    %reduce_min3A_40 = arith.constant dense<2147483647> : vector<512xi32>
    %reduce_min3A_41 = vector.multi_reduction <minsi>, %select_n3A, %reduce_min3A_40 [1] : vector<512x2048xi32> to vector<512xi32>
    %broadcast_in_dim3A_42 = vector.shape_cast %reduce_min3A_41 : vector<512xi32> to vector<512x1xi32>
    %get3A_43 = arith.constant 2048 : index
    %get3A_44 = arith.constant 0 : index
    %get3A_45 = vector.load %arg4[%get3A_43, %get3A_44] : memref<8192x32xbf16, #tpu.memory_space<vmem>>, vector<2048x32xbf16>
    %dot_general3A_46 = arith.constant dense<0.000000e+00> : vector<512x2048xf32>
    %dot_general3A_47 = tpu.matmul %convert_element_type3A, %get3A_45, %dot_general3A_46 {dimension_numbers = #tpu.dot_dimension_numbers<[1], [1], [0], [0], [0, 0, 1, 0], [], []>, transpose_lhs_hint = false} : vector<512x32xbf16>, vector<2048x32xbf16>, vector<512x2048xf32> -> vector<512x2048xf32>
    %get3A_48 = arith.constant 0 : index
    %get3A_49 = arith.constant 2048 : index
    %get3A_50 = vector.load %arg5[%get3A_48, %get3A_49] : memref<1x8192xf32, #tpu.memory_space<vmem>>, vector<1x2048xf32>
    %add3A_51 = vector.broadcast %broadcast_in_dim3A_18 : vector<512x1xf32> to vector<512x2048xf32>
    %add3A_52 = vector.broadcast %get3A_50 : vector<1x2048xf32> to vector<512x2048xf32>
    %add3A_53 = arith.addf %add3A_51, %add3A_52 : vector<512x2048xf32>
    %mul3A_54 = arith.constant 2.000000e+00 : f32
    %mul3A_55 = vector.broadcast %mul3A_54 : f32 to vector<512x2048xf32>
    %mul3A_56 = arith.mulf %mul3A_55, %dot_general3A_47 : vector<512x2048xf32>
    %sub3A_57 = arith.subf %add3A_53, %mul3A_56 : vector<512x2048xf32>
    %reduce_min3A_58 = arith.constant dense<0x7F800000> : vector<512xf32>
    %reduce_min3A_59 = vector.multi_reduction <minimumf>, %sub3A_57, %reduce_min3A_58 [1] : vector<512x2048xf32> to vector<512xf32>
    %broadcast_in_dim3A_60 = vector.shape_cast %reduce_min3A_59 : vector<512xf32> to vector<512x1xf32>
    %iota3A_61 = tpu.iota {dimensions = array<i32: 1>} : vector<512x2048xi32>
    %add3A_62 = arith.constant 2048 : i32
    %add3A_63 = vector.broadcast %add3A_62 : i32 to vector<512x2048xi32>
    %add3A_64 = arith.addi %iota3A_61, %add3A_63 : vector<512x2048xi32>
    %eq3A_65 = vector.broadcast %broadcast_in_dim3A_60 : vector<512x1xf32> to vector<512x2048xf32>
    %eq3A_66 = arith.cmpf oeq, %sub3A_57, %eq3A_65 : vector<512x2048xf32>
    %jit3A_67 = arith.constant 1073741824 : i32
    %broadcast_in_dim3A_68 = vector.broadcast %jit3A_67 : i32 to vector<512x2048xi32>
    %select_n3A_69 = arith.select %eq3A_66, %add3A_64, %broadcast_in_dim3A_68 : vector<512x2048xi1>, vector<512x2048xi32>
    %reduce_min3A_70 = arith.constant dense<2147483647> : vector<512xi32>
    %reduce_min3A_71 = vector.multi_reduction <minsi>, %select_n3A_69, %reduce_min3A_70 [1] : vector<512x2048xi32> to vector<512xi32>
    %broadcast_in_dim3A_72 = vector.shape_cast %reduce_min3A_71 : vector<512xi32> to vector<512x1xi32>
    %lt3A = arith.cmpf olt, %broadcast_in_dim3A_60, %broadcast_in_dim3A_34 : vector<512x1xf32>
    %select_n3A_73 = arith.select %lt3A, %broadcast_in_dim3A_72, %broadcast_in_dim3A_42 : vector<512x1xi1>, vector<512x1xi32>
    %select_n3A_74 = arith.select %lt3A, %broadcast_in_dim3A_60, %broadcast_in_dim3A_34 : vector<512x1xi1>, vector<512x1xf32>
    %get3A_75 = arith.constant 4096 : index
    %get3A_76 = arith.constant 0 : index
    %get3A_77 = vector.load %arg4[%get3A_75, %get3A_76] : memref<8192x32xbf16, #tpu.memory_space<vmem>>, vector<2048x32xbf16>
    %dot_general3A_78 = arith.constant dense<0.000000e+00> : vector<512x2048xf32>
    %dot_general3A_79 = tpu.matmul %convert_element_type3A, %get3A_77, %dot_general3A_78 {dimension_numbers = #tpu.dot_dimension_numbers<[1], [1], [0], [0], [0, 0, 1, 0], [], []>, transpose_lhs_hint = false} : vector<512x32xbf16>, vector<2048x32xbf16>, vector<512x2048xf32> -> vector<512x2048xf32>
    %get3A_80 = arith.constant 0 : index
    %get3A_81 = arith.constant 4096 : index
    %get3A_82 = vector.load %arg5[%get3A_80, %get3A_81] : memref<1x8192xf32, #tpu.memory_space<vmem>>, vector<1x2048xf32>
    %add3A_83 = vector.broadcast %broadcast_in_dim3A_18 : vector<512x1xf32> to vector<512x2048xf32>
    %add3A_84 = vector.broadcast %get3A_82 : vector<1x2048xf32> to vector<512x2048xf32>
    %add3A_85 = arith.addf %add3A_83, %add3A_84 : vector<512x2048xf32>
    %mul3A_86 = arith.constant 2.000000e+00 : f32
    %mul3A_87 = vector.broadcast %mul3A_86 : f32 to vector<512x2048xf32>
    %mul3A_88 = arith.mulf %mul3A_87, %dot_general3A_79 : vector<512x2048xf32>
    %sub3A_89 = arith.subf %add3A_85, %mul3A_88 : vector<512x2048xf32>
    %reduce_min3A_90 = arith.constant dense<0x7F800000> : vector<512xf32>
    %reduce_min3A_91 = vector.multi_reduction <minimumf>, %sub3A_89, %reduce_min3A_90 [1] : vector<512x2048xf32> to vector<512xf32>
    %broadcast_in_dim3A_92 = vector.shape_cast %reduce_min3A_91 : vector<512xf32> to vector<512x1xf32>
    %iota3A_93 = tpu.iota {dimensions = array<i32: 1>} : vector<512x2048xi32>
    %add3A_94 = arith.constant 4096 : i32
    %add3A_95 = vector.broadcast %add3A_94 : i32 to vector<512x2048xi32>
    %add3A_96 = arith.addi %iota3A_93, %add3A_95 : vector<512x2048xi32>
    %eq3A_97 = vector.broadcast %broadcast_in_dim3A_92 : vector<512x1xf32> to vector<512x2048xf32>
    %eq3A_98 = arith.cmpf oeq, %sub3A_89, %eq3A_97 : vector<512x2048xf32>
    %jit3A_99 = arith.constant 1073741824 : i32
    %broadcast_in_dim3A_100 = vector.broadcast %jit3A_99 : i32 to vector<512x2048xi32>
    %select_n3A_101 = arith.select %eq3A_98, %add3A_96, %broadcast_in_dim3A_100 : vector<512x2048xi1>, vector<512x2048xi32>
    %reduce_min3A_102 = arith.constant dense<2147483647> : vector<512xi32>
    %reduce_min3A_103 = vector.multi_reduction <minsi>, %select_n3A_101, %reduce_min3A_102 [1] : vector<512x2048xi32> to vector<512xi32>
    %broadcast_in_dim3A_104 = vector.shape_cast %reduce_min3A_103 : vector<512xi32> to vector<512x1xi32>
    %lt3A_105 = arith.cmpf olt, %broadcast_in_dim3A_92, %select_n3A_74 : vector<512x1xf32>
    %select_n3A_106 = arith.select %lt3A_105, %broadcast_in_dim3A_104, %select_n3A_73 : vector<512x1xi1>, vector<512x1xi32>
    %select_n3A_107 = arith.select %lt3A_105, %broadcast_in_dim3A_92, %select_n3A_74 : vector<512x1xi1>, vector<512x1xf32>
    %get3A_108 = arith.constant 6144 : index
    %get3A_109 = arith.constant 0 : index
    %get3A_110 = vector.load %arg4[%get3A_108, %get3A_109] : memref<8192x32xbf16, #tpu.memory_space<vmem>>, vector<2048x32xbf16>
    %dot_general3A_111 = arith.constant dense<0.000000e+00> : vector<512x2048xf32>
    %dot_general3A_112 = tpu.matmul %convert_element_type3A, %get3A_110, %dot_general3A_111 {dimension_numbers = #tpu.dot_dimension_numbers<[1], [1], [0], [0], [0, 0, 1, 0], [], []>, transpose_lhs_hint = false} : vector<512x32xbf16>, vector<2048x32xbf16>, vector<512x2048xf32> -> vector<512x2048xf32>
    %get3A_113 = arith.constant 0 : index
    %get3A_114 = arith.constant 6144 : index
    %get3A_115 = vector.load %arg5[%get3A_113, %get3A_114] : memref<1x8192xf32, #tpu.memory_space<vmem>>, vector<1x2048xf32>
    %add3A_116 = vector.broadcast %broadcast_in_dim3A_18 : vector<512x1xf32> to vector<512x2048xf32>
    %add3A_117 = vector.broadcast %get3A_115 : vector<1x2048xf32> to vector<512x2048xf32>
    %add3A_118 = arith.addf %add3A_116, %add3A_117 : vector<512x2048xf32>
    %mul3A_119 = arith.constant 2.000000e+00 : f32
    %mul3A_120 = vector.broadcast %mul3A_119 : f32 to vector<512x2048xf32>
    %mul3A_121 = arith.mulf %mul3A_120, %dot_general3A_112 : vector<512x2048xf32>
    %sub3A_122 = arith.subf %add3A_118, %mul3A_121 : vector<512x2048xf32>
    %reduce_min3A_123 = arith.constant dense<0x7F800000> : vector<512xf32>
    %reduce_min3A_124 = vector.multi_reduction <minimumf>, %sub3A_122, %reduce_min3A_123 [1] : vector<512x2048xf32> to vector<512xf32>
    %broadcast_in_dim3A_125 = vector.shape_cast %reduce_min3A_124 : vector<512xf32> to vector<512x1xf32>
    %iota3A_126 = tpu.iota {dimensions = array<i32: 1>} : vector<512x2048xi32>
    %add3A_127 = arith.constant 6144 : i32
    %add3A_128 = vector.broadcast %add3A_127 : i32 to vector<512x2048xi32>
    %add3A_129 = arith.addi %iota3A_126, %add3A_128 : vector<512x2048xi32>
    %eq3A_130 = vector.broadcast %broadcast_in_dim3A_125 : vector<512x1xf32> to vector<512x2048xf32>
    %eq3A_131 = arith.cmpf oeq, %sub3A_122, %eq3A_130 : vector<512x2048xf32>
    %jit3A_132 = arith.constant 1073741824 : i32
    %broadcast_in_dim3A_133 = vector.broadcast %jit3A_132 : i32 to vector<512x2048xi32>
    %select_n3A_134 = arith.select %eq3A_131, %add3A_129, %broadcast_in_dim3A_133 : vector<512x2048xi1>, vector<512x2048xi32>
    %reduce_min3A_135 = arith.constant dense<2147483647> : vector<512xi32>
    %reduce_min3A_136 = vector.multi_reduction <minsi>, %select_n3A_134, %reduce_min3A_135 [1] : vector<512x2048xi32> to vector<512xi32>
    %broadcast_in_dim3A_137 = vector.shape_cast %reduce_min3A_136 : vector<512xi32> to vector<512x1xi32>
    %lt3A_138 = arith.cmpf olt, %broadcast_in_dim3A_125, %select_n3A_107 : vector<512x1xf32>
    %select_n3A_139 = arith.select %lt3A_138, %broadcast_in_dim3A_137, %select_n3A_106 : vector<512x1xi1>, vector<512x1xi32>
    %select_n3A_140 = arith.select %lt3A_138, %broadcast_in_dim3A_125, %select_n3A_107 : vector<512x1xi1>, vector<512x1xf32>
    %reshape3A = vector.shape_cast %select_n3A_139 : vector<512x1xi32> to vector<1x512x1xi32>
    %swap3A = arith.constant 0 : index
    %swap3A_141 = arith.constant 0 : index
    %swap3A_142 = arith.constant 0 : index
    %swap3A_143 = vector.load %arg6[%swap3A, %swap3A_141, %swap3A_142] : memref<1x512x1xi32, #tpu.memory_space<vmem>>, vector<1x512x1xi32>
    tpu.vector_store %arg6[%swap3A, %swap3A_141, %swap3A_142], %reshape3A {strides = array<i32>} : memref<1x512x1xi32, #tpu.memory_space<vmem>>, vector<1x512x1xi32>,
    %add3A_144 = arith.constant 1.000000e+00 : f32
    %add3A_145 = vector.broadcast %add3A_144 : f32 to vector<512x1xf32>
    %add3A_146 = arith.addf %broadcast_in_dim3A, %add3A_145 : vector<512x1xf32>
    %add3A_147 = arith.constant 1.000000e+00 : f32
    %add3A_148 = vector.broadcast %add3A_147 : f32 to vector<512x1xf32>
    %add3A_149 = arith.addf %broadcast_in_dim3A_18, %add3A_148 : vector<512x1xf32>
    %sub3A_150 = arith.subf %add3A_149, %select_n3A_140 : vector<512x1xf32>
    %mul3A_151 = arith.mulf %sqrt3A, %sub3A_150 : vector<512x1xf32>
    %sub3A_152 = arith.subf %add3A_146, %mul3A_151 : vector<512x1xf32>
    %reduce_sum3A_153 = vector.shape_cast %sub3A_152 : vector<512x1xf32> to vector<1x512x1xf32>
    %reduce_sum3A_154 = arith.constant dense<0.000000e+00> : vector<1xf32>
    %reduce_sum3A_155 = vector.multi_reduction <add>, %reduce_sum3A_153, %reduce_sum3A_154 [1, 2] : vector<1x512x1xf32> to vector<1xf32>
    %reduce_sum3A_156 = vector.shape_cast %reduce_sum3A_155 : vector<1xf32> to vector<1x1x1xf32>
    %reduce_sum3A_157 = vector.extract %reduce_sum3A_156[0, 0, 0] : f32 from vector<1x1x1xf32>
    %reshape3A_158 = vector.broadcast %reduce_sum3A_157 : f32 to vector<1x1xf32>
    %eq3A_159 = arith.constant 0 : i32
    %eq3A_160 = arith.cmpi eq, %arg0, %eq3A_159 : i32
    %convert_element_type3A_161 = arith.extui %eq3A_160 : i1 to i32
    %cond3A = arith.constant 0 : i32
    %cond3A_162 = arith.cmpi ne, %convert_element_type3A_161, %cond3A : i32
    scf.if %cond3A_162 {
      %broadcast_in_dim3A_175 = arith.constant 0.000000e+00 : f32
      %broadcast_in_dim3A_176 = vector.broadcast %broadcast_in_dim3A_175 : f32 to vector<1x1xf32>
      %swap3A_177 = arith.constant 0 : index
      %swap3A_178 = arith.constant 0 : index
      %swap3A_179 = vector.load %arg8[%swap3A_177, %swap3A_178] : memref<1x1xf32, #tpu.memory_space<vmem>>, vector<1x1xf32>
      tpu.vector_store %arg8[%swap3A_177, %swap3A_178], %broadcast_in_dim3A_176 {strides = array<i32>} : memref<1x1xf32, #tpu.memory_space<vmem>>, vector<1x1xf32>,
    } else {
    }
    %get3A_163 = arith.constant 0 : index
    %get3A_164 = arith.constant 0 : index
    %get3A_165 = vector.load %arg8[%get3A_163, %get3A_164] : memref<1x1xf32, #tpu.memory_space<vmem>>, vector<1x1xf32>
    %add3A_166 = arith.addf %get3A_165, %reshape3A_158 : vector<1x1xf32>
    %swap3A_167 = arith.constant 0 : index
    %swap3A_168 = arith.constant 0 : index
    %swap3A_169 = vector.load %arg8[%swap3A_167, %swap3A_168] : memref<1x1xf32, #tpu.memory_space<vmem>>, vector<1x1xf32>
    tpu.vector_store %arg8[%swap3A_167, %swap3A_168], %add3A_166 {strides = array<i32>} : memref<1x1xf32, #tpu.memory_space<vmem>>, vector<1x1xf32>,
    %eq3A_170 = arith.constant 63 : i32
    %eq3A_171 = arith.cmpi eq, %arg0, %eq3A_170 : i32
    %convert_element_type3A_172 = arith.extui %eq3A_171 : i1 to i32
    %cond3A_173 = arith.constant 0 : i32
    %cond3A_174 = arith.cmpi ne, %convert_element_type3A_172, %cond3A_173 : i32
    scf.if %cond3A_174 {
      %get3A_175 = arith.constant 0 : index
      %get3A_176 = arith.constant 0 : index
      %get3A_177 = vector.load %arg8[%get3A_175, %get3A_176] : memref<1x1xf32, #tpu.memory_space<vmem>>, vector<1x1xf32>
      %mul3A_178 = arith.constant 1.1920929E-6 : f32
      %mul3A_179 = vector.broadcast %mul3A_178 : f32 to vector<1x1xf32>
      %mul3A_180 = arith.mulf %get3A_177, %mul3A_179 : vector<1x1xf32>
      %swap3A_181 = arith.constant 0 : index
      %swap3A_182 = arith.constant 0 : index
      %swap3A_183 = vector.load %arg7[%swap3A_181, %swap3A_182] : memref<1x1xf32, #tpu.memory_space<vmem>>, vector<1x1xf32>
      tpu.vector_store %arg7[%swap3A_181, %swap3A_182], %mul3A_180 {strides = array<i32>} : memref<1x1xf32, #tpu.memory_space<vmem>>, vector<1x1xf32>,
    } else {
    }
    return
  }
  func.func @transform_0(%arg0: i32) -> (i32, i32) {
    %c0_i32 = arith.constant 0 : i32
    %c0_i32_0 = arith.constant 0 : i32
    return %arg0, %c0_i32 : i32, i32
  }
  func.func @transform_1(%arg0: i32) -> (i32, i32) {
    %c0_i32 = arith.constant 0 : i32
    %c0_i32_0 = arith.constant 0 : i32
    %c0_i32_1 = arith.constant 0 : i32
    return %c0_i32, %c0_i32_0 : i32, i32
  }
  func.func @transform_2(%arg0: i32) -> (i32, i32) {
    %c0_i32 = arith.constant 0 : i32
    %c0_i32_0 = arith.constant 0 : i32
    %c0_i32_1 = arith.constant 0 : i32
    return %c0_i32, %c0_i32_0 : i32, i32
  }
  func.func @transform_3(%arg0: i32) -> (i32, i32) {
    %c0_i32 = arith.constant 0 : i32
    %c0_i32_0 = arith.constant 0 : i32
    %c0_i32_1 = arith.constant 0 : i32
    return %c0_i32, %c0_i32_0 : i32, i32
  }
  func.func @transform_4(%arg0: i32) -> (i32, i32) {
    %c0_i32 = arith.constant 0 : i32
    %c0_i32_0 = arith.constant 0 : i32
    %c0_i32_1 = arith.constant 0 : i32
    return %c0_i32, %c0_i32_0 : i32, i32
  }
  func.func @transform_5(%arg0: i32) -> (i32, i32, i32) {
    %c0_i32 = arith.constant 0 : i32
    %c0_i32_0 = arith.constant 0 : i32
    %c0_i32_1 = arith.constant 0 : i32
    return %arg0, %c0_i32, %c0_i32_0 : i32, i32, i32
  }
  func.func @transform_6(%arg0: i32) -> (i32, i32) {
    %c0_i32 = arith.constant 0 : i32
    %c0_i32_0 = arith.constant 0 : i32
    %c0_i32_1 = arith.constant 0 : i32
    return %c0_i32, %c0_i32_0 : i32, i32
  }
}

</mosaic_0001>

<sc_bundles>
// kernel: kernel.5.cloned.1.call-start
scs
__scs_entry_jumppad:
0x0: {  	(pc) =	sbr.rel $0x88, $3  }
0x1: {  	(tag) =	ssettag $0x0;
	lr =	simm.s32 $0x1  }
0x2: {  	[smem:$0x3F9B] =	sst lr;
	_ =	strace $0xD0000000  }
0x3: {  	_ = 	snop  }
0x4: {  	_ = 	snop  }
0x5: {  	_ = 	snop  }
0x6: {  	_ = 	snop  }
0x7: {  	_ = 	snop  }
__scs_overlays_trampoline_lowered:
0x8: {  	[smem:$0x3FAA] =	sst s0  }
0x9: {  	[smem:$0x3FAB] =	sst s1  }
0xa: {  	[smem:$0x3FAC] =	sst s2  }
0xb: {  	[smem:$0x3FAD] =	sst s3  }
0xc: {  	[smem:$0x3FAE] =	sst s4  }
0xd: {  	[smem:$0x3FAF] =	sst s5  }
0xe: {  	[smem:$0x3FB0] =	sst s6  }
0xf: {  	[smem:$0x3FB1] =	sst s7  }
0x10: {  	[smem:$0x3FB2] =	sst s8  }
0x11: {  	[smem:$0x3FB3] =	sst s9;
	s0 =	simm.s32 @!p0 $0x0  }
0x12: {  	s1 =	sld [smem:$0x3F99];
	s0 =	simm.s32 @p0 $0x1  }
0x13: {  	[smem:$0x3FB4] =	sst s0;
	s0 =	simm.s32 @!p1 $0x0  }
0x14: {  	s2 =	sld [smem:$0x3F98];
	s0 =	simm.s32 @p1 $0x1  }
0x15: {  	[smem:$0x3FB5] =	sst s0;
	s0 =	simm.s32 @!p2 $0x0  }
0x16: {  	s3 =	sld [smem:$0x3FDB];
	s0 =	simm.s32 @p2 $0x1  }
0x17: {  	s4 =	simm.s32 $0x1BF5;
	[smem:$0x3FB7] =	sst s0  }
0x18: {  	s0 =	sld [smem:$0x3F9A];
	_ =	swait.ge [sflag:s4], $0x0  }
0x19: {  	s7 =	sld [smem:$0x3F9B]  }
0x1a: {  	s8 =	sadd.s32 $0xFFFFE003, lr  }
0x1b: {  	s9 =	sadd.s32 $0xFFFFFEF7, lr;
	s5 =	simm.s32 $0xFFFFFFFF;
	p2 =	slt.u32 s8, $0xFFFFF086  }
0x1c: {  	p1 =	slt.u32 s9, $0xF7A;
	s5 =	simm.s32 @!p2 $0x0  }
0x1d: {  	s5 =	simm.s32 @p1 $0x1;
	p0 =	seq.s32 s7, s2  }
0x1e: {  	s7 =	smul.u32 @!p0 $0xF7A, s2;
	p2 =	seq.s32 @!p0 s5, $0x0  }
0x1f: {  	s9 =	smul.u32 $0xF7A, s1;
	s8 =	simm.s32 @!p0 $0x1BF5;
	p2 =	por !p2, p0  }
0x20: {  	[sflag:s8] =	ssyncset.s32 @!p0 $0xFFFFF086;
	s6 =	sadd.s32 @!p0 s3, s7;
	s7 =	simm.s32 @!p0 $0x108  }
0x21: {  	s3 =	sadd.s32 s3, s9;
	s6 =	sadd.s32 @!p0 $0x88, s6;
	s7 =	simm.s32 @p2 $0x1082  }
0x22: {  	[simem:s7], [sflag:s8] =	dma.local @!p0 [hbm:s6], $0xF7A  }
0x23: {  	s9 =	sor.u32 $0xD0000000, s2;
	s6 =	simm.s32 $0x108;
	_ =	swait.ge @!p0 [sflag:s8], $0x0  }
0x24: {  	s3 =	sadd.s32 $0x88, s3;
	s6 =	simm.s32 @!p1 $0x1082;
	[sflag:s4] =	ssyncset.s32 $0xFFFFF086  }
0x25: {  	[simem:s6], [sflag:s4] =	dma.local [hbm:s3], $0xF7A  }
0x26: {  	[smem:$0x3F9B] =	sst s1;
	(tag) =	ssettag s2;
	_ =	strace s9  }
0x27: {  	s1 =	sld [smem:$0x3FAB]  }
0x28: {  	s2 =	sld [smem:$0x3FAC]  }
0x29: {  	s4 =	sld [smem:$0x3FAE]  }
0x2a: {  	p0 =	seq.s32 s5, $0x0;
	s5 =	sld [smem:$0x3FAF]  }
0x2b: {  	s6 =	sld [smem:$0x3FB0]  }
0x2c: {  	s7 =	sld [smem:$0x3FB1]  }
0x2d: {  	s3 =	simm.s32 $0x108;
	s8 =	sld [smem:$0x3FB2]  }
0x2e: {  	s3 =	simm.s32 @!p0 $0x1082;
	s9 =	sld [smem:$0x3FB3]  }
0x2f: {  	lr =	sadd.s32 s0, s3;
	s0 =	sld [smem:$0x3FAA]  }
0x30: {  	s3 =	sld [smem:$0x3FAD]  }
0x31: {  	[smem:$0x3FB6] =	sst s10  }
0x32: {  	s10 =	sld [smem:$0x3FB4];
	_ =	sdelay $0x3  }
0x33: {  	p0 =	seq.s32 s10, $0x1;
	s10 =	sld [smem:$0x3FB6];
	_ =	sdelay $0x3  }
0x34: {  	[smem:$0x3FB6] =	sst s10  }
0x35: {  	s10 =	sld [smem:$0x3FB5];
	_ =	sdelay $0x3  }
0x36: {  	p1 =	seq.s32 s10, $0x1;
	s10 =	sld [smem:$0x3FB6];
	_ =	sdelay $0x3  }
0x37: {  	[smem:$0x3FB6] =	sst s10  }
0x38: {  	s10 =	sld [smem:$0x3FB7]  }
0x39: {  	_ = 	snop;
	(pc) =	sbr.ind lr, $3  }
0x3a: {  	_ = 	snop  }
0x3b: {  	_ = 	snop  }
0x3c: {  	p2 =	seq.s32 s10, $0x1;
	s10 =	sld [smem:$0x3FB6]  }
0x3d: {  	_ =	shalt  }
0x3e: {  	_ =	shalt  }
0x3f: {  	_ =	shalt  }
0x40: {  	_ =	shalt  }
0x41: {  	_ =	shalt  }
0x42: {  	_ =	shalt  }
0x43: {  	_ =	shalt  }
0x44: {  	_ =	shalt  }
0x45: {  	_ =	shalt  }
0x46: {  	_ =	shalt  }
0x47: {  	_ =	shalt  }
0x48: {  	_ =	shalt  }
0x49: {  	_ =	shalt  }
0x4a: {  	_ =	shalt  }
0x4b: {  	_ =	shalt  }
0x4c: {  	_ =	shalt  }
0x4d: {  	_ =	shalt  }
0x4e: {  	_ =	shalt  }
0x4f: {  	_ =	shalt  }
0x50: {  	_ =	shalt  }
0x51: {  	_ =	shalt  }
0x52: {  	_ =	shalt  }
0x53: {  	_ =	shalt  }
0x54: {  	_ =	shalt  }
0x55: {  	_ =	shalt  }
0x56: {  	_ =	shalt  }
0x57: {  	_ =	shalt  }
0x58: {  	_ =	shalt  }
0x59: {  	_ =	shalt  }
0x5a: {  	_ =	shalt  }
0x5b: {  	_ =	shalt  }
0x5c: {  	_ =	shalt  }
0x5d: {  	_ =	shalt  }
0x5e: {  	_ =	shalt  }
0x5f: {  	_ =	shalt  }
0x60: {  	_ =	shalt  }
0x61: {  	_ =	shalt  }
0x62: {  	_ =	shalt  }
0x63: {  	_ =	shalt  }
0x64: {  	_ =	shalt  }
0x65: {  	_ =	shalt  }
0x66: {  	_ =	shalt  }
0x67: {  	_ =	shalt  }
0x68: {  	_ =	shalt  }
0x69: {  	_ =	shalt  }
0x6a: {  	_ =	shalt  }
0x6b: {  	_ =	shalt  }
0x6c: {  	_ =	shalt  }
0x6d: {  	_ =	shalt  }
0x6e: {  	_ =	shalt  }
0x6f: {  	_ =	shalt  }
0x70: {  	_ =	shalt  }
0x71: {  	_ =	shalt  }
0x72: {  	_ =	shalt  }
0x73: {  	_ =	shalt  }
0x74: {  	_ =	shalt  }
0x75: {  	_ =	shalt  }
0x76: {  	_ =	shalt  }
0x77: {  	_ =	shalt  }
0x78: {  	_ =	shalt  }
0x79: {  	_ =	shalt  }
0x7a: {  	_ =	shalt  }
0x7b: {  	_ =	shalt  }
0x7c: {  	_ =	shalt  }
0x7d: {  	_ =	shalt  }
0x7e: {  	_ =	shalt  }
0x7f: {  	_ =	shalt  }
0x80: {  	_ =	shalt  }
0x81: {  	_ =	shalt  }
0x82: {  	_ =	shalt  }
0x83: {  	_ =	shalt  }
0x84: {  	_ =	shalt  }
0x85: {  	_ =	shalt  }
0x86: {  	_ =	shalt  }
0x87: {  	_ =	shalt  }
.Lfunc_end0:
.L_simem_size_0:
called_computation_lowered:
.L_overlay_start_0:
0x88: {  	s2 =	sld [smem:$0x3FD9]  }
0x89: {  	s3 =	sld [smem:$0x3FFE];
	_ =	sdelay $0x1  }
0x8a: {  	s1 =	srdreg.scid  }
0x8b: {  	s0 =	sand.u32 $0x1, s1  }
0x8c: {  	s14 =	sshll.u32 s0, $0xA;
	s2 =	sadd.s32 s3, s2  }
0x8d: {  	s2 =	sadd.s32 s2, s14  }
0x8e: {  	[smem:$0x3FC2] =	sst s2  }
0x8f: {  	_ = 	snop  }
0x90: {  	s2 =	sld [smem:$0x3FD0];
	_ =	sdelay $0x2  }
0x91: {  	s15 =	simm.s32 $0xA;
	s4 =	simm.s32 $0x10  }
0x92: {  	[smem:s4], [sflag:s15] =	dma.local [hbm:s2], $0x1  }
0x93: {  	_ =	swait.eq [sflag:s15], $0x1  }
0x94: {  	[sflag:s15] =	ssyncset.done $0x0  }
0x95: {  	s16 =	sld [smem:$0x10];
	[sflag:s15] =	ssyncadd.s32 $0xFFFFFFFF  }
0x96: {  	s17 =	sld [smem:$0x12];
	(tm) =	ssettm $0x1  }
0x97: {  	s18 =	sld [smem:$0x3FFB];
	_ =	sdelay $0x3  }
0x98: {  	_ =	strace s18  }
0x99: {  	s4 =	sld [smem:$0x3FFC];
	_ =	sdelay $0x3  }
0x9a: {  	_ =	strace s4  }
0x9b: {  	s4 =	sld [smem:$0x3FFD];
	_ =	sdelay $0x3  }
0x9c: {  	_ =	strace s4  }
0x9d: {  	_ =	strace $0x8FFFFFFF  }
0x9e: {  	s19 =	sld [smem:$0x3FDB];
	_ =	sdelay $0x1  }
0x9f: {  	s5 =	simm.s32 $_scs_section_size  }
0xa0: {  	s6 =	simm.s32 $_size__tile_overlayer_lowered;
	s7 =	simm.s32 $_tile_overlayer_lowered  }
0xa1: {  	s22 =	simm.s32 $0x1BFF;
	s21 =	sshll.u32 s7, $0x1;
	s4 =	sadd.s32 s5, s19  }
0xa2: {  	s8 =	simm.s32 $0x0;
	s20 =	sshll.u32 s6, $0x1;
	s6 =	sadd.s32 s21, s4  }
0xa3: {  	[timem:s8], [sflag:s22] =	dma.local [hbm:s6], s20  }
0xa4: {  	_ =	swait.ge [sflag:s22], s20  }
0xa5: {  	s5 =	ssub.s32 $0x0, s20;
	[sflag:s22] =	ssyncset.done $0x0  }
0xa6: {  	[sflag:s22] =	ssyncadd.s32 s5;
	_ =	sdelay $0x1  }
0xa7: {  	s23 =	simm.s32 $0x1B8B  }
0xa8: {  	_ =	swait.ge [sflag:s23], $0x1  }
0xa9: {  	[sflag:s23] =	ssyncset.done $0x0  }
0xaa: {  	s25 =	simm.s32 $0x1B8E;
	s24 =	sld [smem:$0x3FFE];
	[sflag:s23] =	ssyncadd.s32 $0xFFFFFFFF  }
0xab: {  	s26 =	simm.s32 $execute0_lowered;
	[smem:$0x3FD2] =	sst s25  }
0xac: {  	s6 =	sshll.u32 s26, $0x1;
	_ =	strace $0x80000046;
	[dreg:$0x1] =	wrdreg $0xFFFFFFFF  }
0xad: {  	s28 =	simm.s32 $_size_execute0_lowered;
	s4 =	sadd.s32 s4, s6;
	[dreg:$0x0] =	wrdreg $0x0  }
0xae: {  	s6 =	sshll.u32 s28, $0x1;
	[dreg:$0x2] =	wrdreg s4  }
0xaf: {  	[dreg:$0x3] =	wrdreg s6  }
0xb0: {  	[dreg:$0x4] =	wrdreg $0xC0  }
0xb1: {  	_ =	task [dreg:s8], $0x5FFFF  }
0xb2: {  	[dreg:$0x1] =	wrdreg $0xFFFFFFFF  }
0xb3: {  	[dreg:$0x0] =	wrdreg $0x60  }
0xb4: {  	[dreg:$0x2] =	wrdreg s24  }
0xb5: {  	[dreg:$0x3] =	wrdreg s17  }
0xb6: {  	[dreg:$0x4] =	wrdreg s16  }
0xb7: {  	[dreg:$0x5] =	wrdreg $0x9  }
0xb8: {  	_ =	task.clear_ibuf [dreg:s8], $0x6FFFF;
	_ =	strace $0x90000046  }
0xb9: {  	s29 =	simm.s32 $0x9;
	_ =	strace $0x80000048  }
0xba: {  	_ =	swait.ge [sflag:s29], $0x1  }
0xbb: {  	[sflag:s29] =	ssyncadd.s32 $0xFFFFFFFF  }
0xbc: {  	_ =	strace $0x90000048  }
0xbd: {  	_ =	sfence  }
0xbe: {  	s30 =	sld [smem:$0x0];
	_ =	sdelay $0x2  }
0xbf: {  	s31 =	sshll.u32 s1, $0xD;
	s1 =	sshrl.u32 s1, $0x2  }
0xc0: {  	s3 =	sand.u32 $0x4000, s31;
	s1 =	sadd.s32 s1, s30  }
0xc1: {  	s0 =	sor.u32 s3, s0;
	s1 =	sshll.u32 s1, $0x11  }
0xc2: {  	s0 =	sor.u32 s1, s0  }
0xc3: {  	s0 =	sadd.s32 $0x8F2B, s0  }
0xc4: {  	[sflag:s0] =	ssyncadd.remote.s32 $0x1  }
0xc5: {  	_ =	sfence.sel $0xFFFF  }
0xc6: {  	[dreg:$0x0] =	wrdreg $0xFFFFFFFF;
	(pc) =	sbr.abs _section_cstart, $3  }
0xc7: {  	[dreg:$0x1] =	wrdreg $0xFFFFFFFF  }
0xc8: {  	_ =	task.clear_ibuf [dreg:s8], $0x2FFFF;
	_ =	strace $0x9FFFFFFF  }
0xc9: {  	(tm) =	ssettm $0x7FFFFFFF  }
tec
execute0_lowered:
.L_overlay_start_1:
0x0: {  	(tag) =	ssettag $0x1  }
0x1: {  	s0 =	rddreg [dreg:$0x0]  }
0x2: {  	s1 =	srdreg.scid;
	s4 =	rddreg [dreg:$0x1]  }
0x3: {  	s7 =	stileid.u32;
	s5 =	rddreg [dreg:$0x2]  }
0x4: {  	s2 =	simm.s32 $0x0;
	s15 =	simm.s32 $0x900;
	s17 =	simm.s32 $0x1100  }
0x5: {  	s18 =	simm.s32 $0x1900;
	s19 =	simm.s32 $0x2100;
	s21 =	simm.s32 $0x2900  }
0x6: {  	s22 =	simm.s32 $0x3100;
	s23 =	simm.s32 $0x3900;
	s24 =	simm.s32 $0x4100  }
0x7: {  	s25 =	simm.s32 $0x4900;
	s26 =	simm.s32 $0x5100;
	[smem:$0x7FF] =	sst s2  }
0x8: {  	s8 =	simm.s32 $0x5900;
	_ =	strace $0x80000047;
	[dreg:$0x5] =	wrdreg s15  }
0x9: {  	s9 =	simm.s32 $0x6100;
	s10 =	simm.s32 $0x6900;
	[dreg:$0x6] =	wrdreg s17  }
0xa: {  	s11 =	simm.s32 $0x7100;
	s12 =	simm.s32 $0x7900;
	[dreg:$0x7] =	wrdreg s18  }
0xb: {  	s28 =	simm.s32 $0xF100;
	s29 =	simm.s32 $0xF900;
	[dreg:$0x8] =	wrdreg s19  }
0xc: {  	s30 =	simm.s32 $0x1;
	s31 =	simm.s32 $0x0;
	[dreg:$0x9] =	wrdreg s21  }
0xd: {  	s1 =	sand.u32 $0x1, s1;
	s3 =	sshll.u32 s7, $0xB;
	[dreg:$0xa] =	wrdreg s22  }
0xe: {  	s20 =	sshll.u32 s7, $0x10;
	s7 =	simm.s32 $0x100;
	[dreg:$0xb] =	wrdreg s23  }
0xf: {  	s6 =	sshll.u32 s1, $0xA;
	s14 =	ssub.s32 $0x2, s1;
	[dreg:$0xc] =	wrdreg s24  }
0x10: {  	s5 =	sadd.s32 s20, s5;
	s1 =	sshll.u32 s1, $0xF;
	[dreg:$0xd] =	wrdreg s25  }
0x11: {  	[dreg:$0xe] =	wrdreg s26;
	s15 =	simm.s32 $0x9100;
	s17 =	simm.s32 $0xA100  }
0x12: {  	s18 =	simm.s32 $0xA900;
	s19 =	simm.s32 $0xB100;
	s20 =	simm.s32 $0xB900  }
0x13: {  	s21 =	simm.s32 $0xC100;
	s22 =	simm.s32 $0xC900;
	s23 =	simm.s32 $0xD100  }
0x14: {  	s24 =	simm.s32 $0xD900;
	s25 =	simm.s32 $0xE100;
	s26 =	simm.s32 $0xE900  }
0x15: {  	s3 =	sor.u32 s6, s3;
	s16 =	sshrl.u32 s14, $0x1;
	s1 =	sadd.s32 s1, s5  }
0x16: {  	s6 =	sshrl.u32 s3, $0x3;
	s3 =	sadd.s32 $0xA00, s0;
	[dreg:$0x10] =	wrdreg s1  }
0x17: {  	v2 =	vlaneseq.u32;
	s13 =	sadd.s32 s6, s4;
	s4 =	ssub.s32 s14, s16;
	s6 =	simm.s32 $0x2  }
0x18: {  	vm0 =	vmmov $0xffff;
	v1 =	vshrl.u32 v2, $0x3;
	s14 =	simm.s32 $0x8900;
	[dreg:$0x4] =	wrdreg s13;
	s4 =	smax.u32 s4, $0x1  }
0x19: {  	v0 =	vand.u32 $0x7, v2;
	v2 =	vor.u32 $0x8, v2;
	v1 =	vmul.u32 $0x8, v1;
	s16 =	simm.s32 $0x9900;
	s13 =	simm.s32 $0x8100;
	[dreg:$0xf] =	wrdreg s4  }
.LBB2_1:
0x1a: {  	s5 =	rddreg [dreg:$0x10];
	s0 =	simm.s32 $0x0  }
.LBB2_2:
0x1b: {  	s4 =	rddreg [dreg:$0x4]  }
0x1c: {  	s4 =	sadd.s32 s0, s4  }
0x1d: {  	[tilespmem:s2], [sflag:$0x2] =	stream.linear.gather [hbm4b:s4+s2], $0x100, $0x38;
	[tilespmem:$0x10100] =	vst v63  }
0x1e: {  	_ =	swait.ge [sflag:s6], $0x100  }
0x1f: {  	[sflag:s6] =	ssyncset.done $0x0  }
0x20: {  	[sflag:s6] =	ssyncadd.s32 $0xFFFFFF00  }
0x21: {  	v3 =	vld [tilespmem:$0x0];
	_ =	sdelay $0x4  }
0x22: {  	v4 =	vshll.u32 v3, $0x1  }
0x23: {  	v3 =	vand.u32 $0x7, v3;
	v4 =	vand.u32 $0xFFFFFFF0, v4  }
0x24: {  	v3 =	vor.u32 v3, v4  }
0x25: {  	v4 =	vperm.xlane v3, v0;
	_ =	sdelay $0x1  }
0x26: {  	v3 =	vperm.xlane v3, v2;
	v4 =	vadd.s32 v1, v4;
	_ =	sdelay $0x1  }
0x27: {  	v3 =	vadd.s32 v1, v3;
	_ =	sdelay $0x2  }
0x28: {  	[tilespmem:s7], [sflag:$0x1] =	stream.indirect_vreg.gather [hbm4b:s3+s2], $0x80, v4, vm0, $0xb8;
	[tilespmem:$0x10100] =	vst v63  }
0x29: {  	s1 =	rddreg [dreg:$0x5]  }
0x2a: {  	[tilespmem:s1], [sflag:$0x1] =	stream.indirect_vreg.gather [hbm4b:s3+s2], $0x80, v3, vm0, $0xb8;
	[tilespmem:$0x10100] =	vst v63  }
0x2b: {  	v3 =	vld [tilespmem:$0x10];
	_ =	sdelay $0x4  }
0x2c: {  	v49 =	vshll.u32 v3, $0x1  }
0x2d: {  	v3 =	vand.u32 $0x7, v3;
	v4 =	vand.u32 $0xFFFFFFF0, v49  }
0x2e: {  	v3 =	vor.u32 v3, v4  }
0x2f: {  	v4 =	vperm.xlane v3, v0;
	_ =	sdelay $0x1  }
0x30: {  	v3 =	vperm.xlane v3, v2;
	v4 =	vadd.s32 v1, v4;
	_ =	sdelay $0x1  }
0x31: {  	v3 =	vadd.s32 v1, v3;
	_ =	sdelay $0x1  }
0x32: {  	s4 =	rddreg [dreg:$0x6]  }
0x33: {  	[tilespmem:s4], [sflag:$0x1] =	stream.indirect_vreg.gather [hbm4b:s3+s2], $0x80, v4, vm0, $0xb8;
	[tilespmem:$0x10100] =	vst v63  }
0x34: {  	s1 =	rddreg [dreg:$0x7]  }
0x35: {  	[tilespmem:s1], [sflag:$0x1] =	stream.indirect_vreg.gather [hbm4b:s3+s2], $0x80, v3, vm0, $0xb8;
	[tilespmem:$0x10100] =	vst v63  }
0x36: {  	v3 =	vld [tilespmem:$0x20];
	_ =	sdelay $0x4  }
0x37: {  	v50 =	vshll.u32 v3, $0x1  }
0x38: {  	v3 =	vand.u32 $0x7, v3;
	v4 =	vand.u32 $0xFFFFFFF0, v50  }
0x39: {  	v3 =	vor.u32 v3, v4  }
0x3a: {  	v4 =	vperm.xlane v3, v0;
	_ =	sdelay $0x1  }
0x3b: {  	v3 =	vperm.xlane v3, v2;
	v4 =	vadd.s32 v1, v4;
	_ =	sdelay $0x1  }
0x3c: {  	v3 =	vadd.s32 v1, v3;
	_ =	sdelay $0x1  }
0x3d: {  	s1 =	rddreg [dreg:$0x8]  }
0x3e: {  	[tilespmem:s1], [sflag:$0x1] =	stream.indirect_vreg.gather [hbm4b:s3+s2], $0x80, v4, vm0, $0xb8;
	[tilespmem:$0x10100] =	vst v63  }
0x3f: {  	s4 =	rddreg [dreg:$0x9]  }
0x40: {  	[tilespmem:s4], [sflag:$0x1] =	stream.indirect_vreg.gather [hbm4b:s3+s2], $0x80, v3, vm0, $0xb8;
	[tilespmem:$0x10100] =	vst v63  }
0x41: {  	v3 =	vld [tilespmem:$0x30];
	_ =	sdelay $0x4  }
0x42: {  	v51 =	vshll.u32 v3, $0x1  }
0x43: {  	v3 =	vand.u32 $0x7, v3;
	v4 =	vand.u32 $0xFFFFFFF0, v51  }
0x44: {  	v3 =	vor.u32 v3, v4  }
0x45: {  	v4 =	vperm.xlane v3, v0;
	_ =	sdelay $0x1  }
0x46: {  	v3 =	vperm.xlane v3, v2;
	v4 =	vadd.s32 v1, v4;
	_ =	sdelay $0x1  }
0x47: {  	v3 =	vadd.s32 v1, v3;
	_ =	sdelay $0x1  }
0x48: {  	s1 =	rddreg [dreg:$0xa]  }
0x49: {  	[tilespmem:s1], [sflag:$0x1] =	stream.indirect_vreg.gather [hbm4b:s3+s2], $0x80, v4, vm0, $0xb8;
	[tilespmem:$0x10100] =	vst v63  }
0x4a: {  	s4 =	rddreg [dreg:$0xb]  }
0x4b: {  	[tilespmem:s4], [sflag:$0x1] =	stream.indirect_vreg.gather [hbm4b:s3+s2], $0x80, v3, vm0, $0xb8;
	[tilespmem:$0x10100] =	vst v63  }
0x4c: {  	v3 =	vld [tilespmem:$0x40];
	_ =	sdelay $0x4  }
0x4d: {  	v52 =	vshll.u32 v3, $0x1  }
0x4e: {  	v3 =	vand.u32 $0x7, v3;
	v4 =	vand.u32 $0xFFFFFFF0, v52  }
0x4f: {  	v3 =	vor.u32 v3, v4  }
0x50: {  	v4 =	vperm.xlane v3, v0;
	_ =	sdelay $0x1  }
0x51: {  	v3 =	vperm.xlane v3, v2;
	v4 =	vadd.s32 v1, v4;
	_ =	sdelay $0x1  }
0x52: {  	v3 =	vadd.s32 v1, v3;
	_ =	sdelay $0x1  }
0x53: {  	s1 =	rddreg [dreg:$0xc]  }
0x54: {  	[tilespmem:s1], [sflag:$0x1] =	stream.indirect_vreg.gather [hbm4b:s3+s2], $0x80, v4, vm0, $0xb8;
	[tilespmem:$0x10100] =	vst v63  }
0x55: {  	s4 =	rddreg [dreg:$0xd]  }
0x56: {  	[tilespmem:s4], [sflag:$0x1] =	stream.indirect_vreg.gather [hbm4b:s3+s2], $0x80, v3, vm0, $0xb8;
	[tilespmem:$0x10100] =	vst v63  }
0x57: {  	v3 =	vld [tilespmem:$0x50];
	_ =	sdelay $0x4  }
0x58: {  	v53 =	vshll.u32 v3, $0x1  }
0x59: {  	v3 =	vand.u32 $0x7, v3;
	v4 =	vand.u32 $0xFFFFFFF0, v53  }
0x5a: {  	v3 =	vor.u32 v3, v4  }
0x5b: {  	v4 =	vperm.xlane v3, v0;
	_ =	sdelay $0x1  }
0x5c: {  	v3 =	vperm.xlane v3, v2;
	v4 =	vadd.s32 v1, v4;
	_ =	sdelay $0x1  }
0x5d: {  	v3 =	vadd.s32 v1, v3;
	_ =	sdelay $0x1  }
0x5e: {  	s4 =	rddreg [dreg:$0xe]  }
0x5f: {  	[tilespmem:s4], [sflag:$0x1] =	stream.indirect_vreg.gather [hbm4b:s3+s2], $0x80, v4, vm0, $0xb8;
	[tilespmem:$0x10100] =	vst v63  }
0x60: {  	_ = 	snop  }
0x61: {  	[tilespmem:s8], [sflag:$0x1] =	stream.indirect_vreg.gather [hbm4b:s3+s2], $0x80, v3, vm0, $0xb8;
	[tilespmem:$0x10100] =	vst v63  }
0x62: {  	v3 =	vld [tilespmem:$0x60];
	_ =	sdelay $0x4  }
0x63: {  	v54 =	vshll.u32 v3, $0x1  }
0x64: {  	v3 =	vand.u32 $0x7, v3;
	v4 =	vand.u32 $0xFFFFFFF0, v54  }
0x65: {  	v3 =	vor.u32 v3, v4  }
0x66: {  	v4 =	vperm.xlane v3, v0;
	_ =	sdelay $0x1  }
0x67: {  	v3 =	vperm.xlane v3, v2;
	v4 =	vadd.s32 v1, v4;
	_ =	sdelay $0x1  }
0x68: {  	v3 =	vadd.s32 v1, v3;
	_ =	sdelay $0x2  }
0x69: {  	[tilespmem:s9], [sflag:$0x1] =	stream.indirect_vreg.gather [hbm4b:s3+s2], $0x80, v4, vm0, $0xb8;
	[tilespmem:$0x10100] =	vst v63  }
0x6a: {  	_ = 	snop  }
0x6b: {  	[tilespmem:s10], [sflag:$0x1] =	stream.indirect_vreg.gather [hbm4b:s3+s2], $0x80, v3, vm0, $0xb8;
	[tilespmem:$0x10100] =	vst v63  }
0x6c: {  	v3 =	vld [tilespmem:$0x70];
	_ =	sdelay $0x4  }
0x6d: {  	v55 =	vshll.u32 v3, $0x1  }
0x6e: {  	v3 =	vand.u32 $0x7, v3;
	v4 =	vand.u32 $0xFFFFFFF0, v55  }
0x6f: {  	v3 =	vor.u32 v3, v4  }
0x70: {  	v4 =	vperm.xlane v3, v0;
	_ =	sdelay $0x1  }
0x71: {  	v3 =	vperm.xlane v3, v2;
	v4 =	vadd.s32 v1, v4;
	_ =	sdelay $0x1  }
0x72: {  	v3 =	vadd.s32 v1, v3;
	_ =	sdelay $0x2  }
0x73: {  	[tilespmem:s11], [sflag:$0x1] =	stream.indirect_vreg.gather [hbm4b:s3+s2], $0x80, v4, vm0, $0xb8;
	[tilespmem:$0x10100] =	vst v63  }
0x74: {  	_ = 	snop  }
0x75: {  	[tilespmem:s12], [sflag:$0x1] =	stream.indirect_vreg.gather [hbm4b:s3+s2], $0x80, v3, vm0, $0xb8;
	[tilespmem:$0x10100] =	vst v63  }
0x76: {  	v3 =	vld [tilespmem:$0x80];
	_ =	sdelay $0x4  }
0x77: {  	v56 =	vshll.u32 v3, $0x1  }
0x78: {  	v3 =	vand.u32 $0x7, v3;
	v4 =	vand.u32 $0xFFFFFFF0, v56  }
0x79: {  	v3 =	vor.u32 v3, v4  }
0x7a: {  	v4 =	vperm.xlane v3, v0;
	_ =	sdelay $0x1  }
0x7b: {  	v3 =	vperm.xlane v3, v2;
	v4 =	vadd.s32 v1, v4;
	_ =	sdelay $0x1  }
0x7c: {  	v3 =	vadd.s32 v1, v3;
	_ =	sdelay $0x2  }
0x7d: {  	[tilespmem:s13], [sflag:$0x1] =	stream.indirect_vreg.gather [hbm4b:s3+s2], $0x80, v4, vm0, $0xb8;
	[tilespmem:$0x10100] =	vst v63  }
0x7e: {  	_ = 	snop  }
0x7f: {  	[tilespmem:s14], [sflag:$0x1] =	stream.indirect_vreg.gather [hbm4b:s3+s2], $0x80, v3, vm0, $0xb8;
	[tilespmem:$0x10100] =	vst v63  }
0x80: {  	v3 =	vld [tilespmem:$0x90];
	_ =	sdelay $0x4  }
0x81: {  	v57 =	vshll.u32 v3, $0x1  }
0x82: {  	v3 =	vand.u32 $0x7, v3;
	v4 =	vand.u32 $0xFFFFFFF0, v57  }
0x83: {  	v3 =	vor.u32 v3, v4  }
0x84: {  	v4 =	vperm.xlane v3, v0;
	_ =	sdelay $0x1  }
0x85: {  	v3 =	vperm.xlane v3, v2;
	v4 =	vadd.s32 v1, v4;
	_ =	sdelay $0x1  }
0x86: {  	v3 =	vadd.s32 v1, v3;
	_ =	sdelay $0x2  }
0x87: {  	[tilespmem:s15], [sflag:$0x1] =	stream.indirect_vreg.gather [hbm4b:s3+s2], $0x80, v4, vm0, $0xb8;
	[tilespmem:$0x10100] =	vst v63  }
0x88: {  	_ = 	snop  }
0x89: {  	[tilespmem:s16], [sflag:$0x1] =	stream.indirect_vreg.gather [hbm4b:s3+s2], $0x80, v3, vm0, $0xb8;
	[tilespmem:$0x10100] =	vst v63  }
0x8a: {  	v3 =	vld [tilespmem:$0xA0];
	_ =	sdelay $0x4  }
0x8b: {  	v58 =	vshll.u32 v3, $0x1  }
0x8c: {  	v3 =	vand.u32 $0x7, v3;
	v4 =	vand.u32 $0xFFFFFFF0, v58  }
0x8d: {  	v3 =	vor.u32 v3, v4  }
0x8e: {  	v4 =	vperm.xlane v3, v0;
	_ =	sdelay $0x1  }
0x8f: {  	v3 =	vperm.xlane v3, v2;
	v4 =	vadd.s32 v1, v4;
	_ =	sdelay $0x1  }
0x90: {  	v3 =	vadd.s32 v1, v3;
	_ =	sdelay $0x2  }
0x91: {  	[tilespmem:s17], [sflag:$0x1] =	stream.indirect_vreg.gather [hbm4b:s3+s2], $0x80, v4, vm0, $0xb8;
	[tilespmem:$0x10100] =	vst v63  }
0x92: {  	_ = 	snop  }
0x93: {  	[tilespmem:s18], [sflag:$0x1] =	stream.indirect_vreg.gather [hbm4b:s3+s2], $0x80, v3, vm0, $0xb8;
	[tilespmem:$0x10100] =	vst v63  }
0x94: {  	v3 =	vld [tilespmem:$0xB0];
	_ =	sdelay $0x4  }
0x95: {  	v59 =	vshll.u32 v3, $0x1  }
0x96: {  	v3 =	vand.u32 $0x7, v3;
	v4 =	vand.u32 $0xFFFFFFF0, v59  }
0x97: {  	v3 =	vor.u32 v3, v4  }
0x98: {  	v4 =	vperm.xlane v3, v0;
	_ =	sdelay $0x1  }
0x99: {  	v3 =	vperm.xlane v3, v2;
	v4 =	vadd.s32 v1, v4;
	_ =	sdelay $0x1  }
0x9a: {  	v3 =	vadd.s32 v1, v3;
	_ =	sdelay $0x2  }
0x9b: {  	[tilespmem:s19], [sflag:$0x1] =	stream.indirect_vreg.gather [hbm4b:s3+s2], $0x80, v4, vm0, $0xb8;
	[tilespmem:$0x10100] =	vst v63  }
0x9c: {  	_ = 	snop  }
0x9d: {  	[tilespmem:s20], [sflag:$0x1] =	stream.indirect_vreg.gather [hbm4b:s3+s2], $0x80, v3, vm0, $0xb8;
	[tilespmem:$0x10100] =	vst v63  }
0x9e: {  	v3 =	vld [tilespmem:$0xC0];
	_ =	sdelay $0x4  }
0x9f: {  	v60 =	vshll.u32 v3, $0x1  }
0xa0: {  	v3 =	vand.u32 $0x7, v3;
	v4 =	vand.u32 $0xFFFFFFF0, v60  }
0xa1: {  	v3 =	vor.u32 v3, v4  }
0xa2: {  	v4 =	vperm.xlane v3, v0;
	_ =	sdelay $0x1  }
0xa3: {  	v3 =	vperm.xlane v3, v2;
	v4 =	vadd.s32 v1, v4;
	_ =	sdelay $0x1  }
0xa4: {  	v3 =	vadd.s32 v1, v3;
	_ =	sdelay $0x2  }
0xa5: {  	[tilespmem:s21], [sflag:$0x1] =	stream.indirect_vreg.gather [hbm4b:s3+s2], $0x80, v4, vm0, $0xb8;
	[tilespmem:$0x10100] =	vst v63  }
0xa6: {  	_ = 	snop  }
0xa7: {  	[tilespmem:s22], [sflag:$0x1] =	stream.indirect_vreg.gather [hbm4b:s3+s2], $0x80, v3, vm0, $0xb8;
	[tilespmem:$0x10100] =	vst v63  }
0xa8: {  	v3 =	vld [tilespmem:$0xD0];
	_ =	sdelay $0x4  }
0xa9: {  	v61 =	vshll.u32 v3, $0x1  }
0xaa: {  	v3 =	vand.u32 $0x7, v3;
	v4 =	vand.u32 $0xFFFFFFF0, v61  }
0xab: {  	v3 =	vor.u32 v3, v4  }
0xac: {  	v4 =	vperm.xlane v3, v0;
	_ =	sdelay $0x1  }
0xad: {  	v3 =	vperm.xlane v3, v2;
	v4 =	vadd.s32 v1, v4;
	_ =	sdelay $0x1  }
0xae: {  	v3 =	vadd.s32 v1, v3;
	_ =	sdelay $0x2  }
0xaf: {  	[tilespmem:s23], [sflag:$0x1] =	stream.indirect_vreg.gather [hbm4b:s3+s2], $0x80, v4, vm0, $0xb8;
	[tilespmem:$0x10100] =	vst v63  }
0xb0: {  	_ = 	snop  }
0xb1: {  	[tilespmem:s24], [sflag:$0x1] =	stream.indirect_vreg.gather [hbm4b:s3+s2], $0x80, v3, vm0, $0xb8;
	[tilespmem:$0x10100] =	vst v63  }
0xb2: {  	v3 =	vld [tilespmem:$0xE0];
	_ =	sdelay $0x4  }
0xb3: {  	v62 =	vshll.u32 v3, $0x1  }
0xb4: {  	v3 =	vand.u32 $0x7, v3;
	v4 =	vand.u32 $0xFFFFFFF0, v62  }
0xb5: {  	v3 =	vor.u32 v3, v4  }
0xb6: {  	v4 =	vperm.xlane v3, v0;
	_ =	sdelay $0x1  }
0xb7: {  	v3 =	vperm.xlane v3, v2;
	v4 =	vadd.s32 v1, v4;
	_ =	sdelay $0x1  }
0xb8: {  	v3 =	vadd.s32 v1, v3;
	_ =	sdelay $0x2  }
0xb9: {  	[tilespmem:s25], [sflag:$0x1] =	stream.indirect_vreg.gather [hbm4b:s3+s2], $0x80, v4, vm0, $0xb8;
	[tilespmem:$0x10100] =	vst v63  }
0xba: {  	_ = 	snop  }
0xbb: {  	[tilespmem:s26], [sflag:$0x1] =	stream.indirect_vreg.gather [hbm4b:s3+s2], $0x80, v3, vm0, $0xb8;
	[tilespmem:$0x10100] =	vst v63  }
0xbc: {  	v3 =	vld [tilespmem:$0xF0];
	_ =	sdelay $0x4  }
0xbd: {  	v63 =	vshll.u32 v3, $0x1  }
0xbe: {  	v3 =	vand.u32 $0x7, v3;
	v4 =	vand.u32 $0xFFFFFFF0, v63  }
0xbf: {  	v3 =	vor.u32 v3, v4  }
0xc0: {  	v4 =	vperm.xlane v3, v0;
	_ =	sdelay $0x1  }
0xc1: {  	v3 =	vperm.xlane v3, v2;
	v4 =	vadd.s32 v1, v4;
	_ =	sdelay $0x1  }
0xc2: {  	v3 =	vadd.s32 v1, v3;
	_ =	sdelay $0x2  }
0xc3: {  	[tilespmem:s28], [sflag:$0x1] =	stream.indirect_vreg.gather [hbm4b:s3+s2], $0x80, v4, vm0, $0xb8;
	[tilespmem:$0x10100] =	vst v63  }
0xc4: {  	_ = 	snop  }
0xc5: {  	[tilespmem:s29], [sflag:$0x1] =	stream.indirect_vreg.gather [hbm4b:s3+s2], $0x80, v3, vm0, $0xb8;
	[tilespmem:$0x10100] =	vst v63  }
0xc6: {  	_ =	swait.ge [sflag:s30], $0x10000  }
0xc7: {  	p0 =	sne.s32 s0, $0x60;
	[sflag:s30] =	ssyncset.done $0x0  }
.Ltmp0:
0xc8: {  	[sflag:s30] =	ssyncadd.s32 $0xFFFF0000;
	(pc) =	sbr.rel @p0 .LBB2_2-.Ltmp0, $4  }
0xc9: {  	[hbm4b:s5+s2] =	stream.linear.scatter [tilespmem:s7], [sflag:$0x2], $0x10000, $0x38;
	[tilespmem:$0x10100] =	vst v63  }
0xca: {  	_ =	swait.ge [sflag:s6], $0x10000  }
0xcb: {  	[sflag:s6] =	ssyncset.done $0x0  }
0xcc: {  	s0 =	sadd.s32 $0x20, s0;
	s5 =	sadd.s32 $0x2000, s5;
	[sflag:s6] =	ssyncadd.s32 $0xFFFF0000  }
0xcd: {  	s31 =	sadd.s32 $0x1, s31;
	s0 =	rddreg [dreg:$0xf]  }
0xce: {  	p0 =	sne.s32 s31, s0  }
.Ltmp1:
0xcf: {  	_ = 	snop;
	(pc) =	sbr.rel @p0 .LBB2_1-.Ltmp1, $1  }
0xd0: {  	_ =	sdelay $0x3  }
0xd1: {  	_ =	sfence.sel $0x180000  }
0xd2: {  	[bflag:$0x0] =	sbarrier.arrive $0xFFFF  }
0xd3: {  	_ =	strace $0x90000047  }
0xd4: {  	s0 =	stileid.u32;
	[bflag:$0x2] =	sbarrier.arrive $0xFFFF  }
0xd5: {  	p0 =	sne.s32 s0, $0x0;
	s0 =	rddreg [dreg:$0x3]  }
0xd6: {  	s0 =	sadd.s32 @!p0 $0x100000, s0  }
0xd7: {  	[sflag:s0] =	ssyncadd.tile.s32 @!p0 $0x1;
	_ =	shalt  }
.Lfunc_end2:
_tile_overlayer_lowered:
.L_overlay_start_2:
0xd8: {  	(tag) =	ssettag $0x2  }
0xd9: {  	s0 =	rddreg [dreg:$0x0];
	s2 =	stileid.u32  }
0xda: {  	s1 =	rddreg [dreg:$0x1];
	p0 =	sne.s32 s2, $0x0  }
0xdb: {  	s3 =	rddreg [dreg:$0x2];
	[bflag:$0x3] =	sbarrier.arrive $0xFFFF;
	s2 =	simm.s32 @!p0 $0x1C02  }
0xdc: {  	[timem:s3], [sflag:s2] =	dma.local @!p0 [hbm:s0], s1  }
0xdd: {  	s0 =	simm.s32 @!p0 $0x2  }
0xde: {  	_ =	swait.ge @!p0 [sflag:s0], s1  }
0xdf: {  	s1 =	ssub.s32 @!p0 $0x0, s1;
	[sflag:s0] =	ssyncset.done @!p0 $0x0  }
0xe0: {  	[sflag:s0] =	ssyncadd.s32 @!p0 s1  }
0xe1: {  	[bflag:$0x3] =	sbarrier.arrive $0xFFFF  }
0xe2: {  	_ =	shalt  }

</sc_bundles>
